<compile_context>
chip_gen: v7x
topology: tpu7x:2x2x1
jax: 0.10.2.dev20260603
libtpu: 0.0.44.dev20260713+nightly
codegen_flags: <defaults>
</compile_context>

<pallas_src>
import functools

import jax
import jax.numpy as jnp
from jax import lax
from jax.experimental import pallas as pl
from jax.experimental.pallas import tpu as pltpu
from jax.experimental.pallas import tpu_sc as plsc

NUM_FIELDS = 26
FIELD_DIM = 100000
EMBED_DIM = 16
BATCH = 16384

L = 16
NC = 2
NS = 16
NW = NC * NS

B = BATCH * NUM_FIELDS
BPW = B // NW
CHUNK = 3328
NCH = BPW // CHUNK


@functools.partial(
    pl.kernel,
    mesh=plsc.VectorSubcoreMesh(core_axis_name="c", subcore_axis_name="s"),
    compiler_params=pltpu.CompilerParams(use_tc_tiling_on_sc=False),
    out_type=jax.ShapeDtypeStruct((B, EMBED_DIM), jnp.float32),
    scratch_types=[
        pltpu.VMEM((BPW,), jnp.int32),
        pltpu.VMEM((CHUNK, EMBED_DIM), jnp.float32),
        pltpu.VMEM((CHUNK, EMBED_DIM), jnp.float32),
        pltpu.SemaphoreType.DMA,
        pltpu.SemaphoreType.DMA,
    ],
)
def _emb_gather(x_hbm, table_hbm, out_hbm, idx_v, rows0, rows1, sem0, sem1):
    wid = lax.axis_index("s") * NC + lax.axis_index("c")
    base = wid * BPW

    pltpu.sync_copy(x_hbm.at[pl.ds(base, BPW)], idx_v)

    lane = lax.iota(jnp.int32, 16)

    def add_offsets(i, carry):
        pos = base + i * L + lane
        idx_v[pl.ds(i * L, L)] = idx_v[pl.ds(i * L, L)] + (pos % NUM_FIELDS) * FIELD_DIM
        return carry

    lax.fori_loop(0, BPW // L, add_offsets, 0)

    rows = (rows0, rows1)
    sems = (sem0, sem1)
    copies = []
    for c in range(NCH):
        cp = pltpu.async_copy(
            table_hbm.at[idx_v.at[pl.ds(c * CHUNK, CHUNK)]], rows[c % 2], sems[c % 2]
        )
        copies.append(cp)
        if c >= 1:
            copies[c - 1].wait()
            pltpu.sync_copy(
                rows[(c - 1) % 2], out_hbm.at[pl.ds(base + (c - 1) * CHUNK, CHUNK)]
            )
    copies[NCH - 1].wait()
    pltpu.sync_copy(
        rows[(NCH - 1) % 2], out_hbm.at[pl.ds(base + (NCH - 1) * CHUNK, CHUNK)]
    )


def kernel(x, table):
    flat = x.reshape(B)
    out = _emb_gather(flat, table)
    return out.reshape(BATCH, NUM_FIELDS, EMBED_DIM)

# --- scband reference (transcript-rebuilt; emitter-appended) ---
"""Pipeline reference for scband-features-embedding-31516470018422 (READ-ONLY COPY).

The authoritative reference and input builder live on the scoring server;
editing this copy changes nothing except your own understanding.
"""

import jax, jax.numpy as jnp
import numpy as np

FIELD_DIMS = [100000] * 26
EMBED_DIM = 16
BATCH = 16384


def setup_inputs(seed: int = 0) -> dict:
    key = jax.random.key(seed)
    k1, k2 = jax.random.split(key)
    x = jax.random.randint(k1, (BATCH, len(FIELD_DIMS)), 0, 100000, dtype=jnp.int32)
    num_embeddings = int(sum(FIELD_DIMS))
    # xavier_uniform init for the embedding table
    bound = float(np.sqrt(6.0 / (num_embeddings + EMBED_DIM)))
    table = jax.random.uniform(k2, (num_embeddings, EMBED_DIM), dtype=jnp.float32, minval=-bound, maxval=bound)
    return {"x": x, "table": table}


def reference(x, table):
    # offsets = (0, cumsum(field_dims)[:-1])
    offsets = jnp.asarray(np.array((0, *np.cumsum(FIELD_DIMS)[:-1]), dtype=np.int32))
    shifted = x + offsets[None, :]
    # embedding lookup -> (batch, num_fields, embed_dim)
    return jnp.take(table, shifted, axis=0)

if __name__ == "__main__":
    import jax
    _d = setup_inputs()
    print(jax.jit(kernel)(*tuple(_d.values())))

</pallas_src>

<mosaic_0001>
#map = affine_map<(d0, d1) -> (0)>
#map1 = affine_map<(d0, d1) -> (0, 0)>
module attributes {stable_mosaic.version = 14 : i64} {
  func.func @_emb_gather(%arg0: i32, %arg1: i32, %arg2: memref<425984xi32, #tpu.memory_space<hbm>>, %arg3: memref<2600000x16xf32, #tpu.memory_space<hbm>>, %arg4: memref<425984x16xf32, #tpu.memory_space<hbm>>, %arg5: memref<13312xi32, #tpu.memory_space<vmem>>, %arg6: memref<3328x16xf32, #tpu.memory_space<vmem>>, %arg7: memref<3328x16xf32, #tpu.memory_space<vmem>>, %arg8: memref<!tpu.dma_semaphore, #tpu.memory_space<semaphore_mem>>, %arg9: memref<!tpu.dma_semaphore, #tpu.memory_space<semaphore_mem>>) attributes {dimension_semantics = [#tpu.dimension_semantics<core_parallel>, #tpu.dimension_semantics<subcore_parallel>], iteration_bounds = array<i64: 2, 16>, scalar_prefetch = 0 : i64, scratch_operands = 5 : i64, tpu.core_type = #tpu.core_type<sc_vector_subcore>, window_params = [{transform_indices = #map}, {transform_indices = #map1}, {transform_indices = #map1}]} {
    %mul3A = arith.constant 2 : i32
    %mul3A_0 = arith.muli %arg1, %mul3A : i32
    %add3A = arith.addi %mul3A_0, %arg0 : i32
    %mul3A_1 = arith.constant 13312 : i32
    %mul3A_2 = arith.muli %add3A, %mul3A_1 : i32
    "tpu.region"() ({
      %run_scoped3A = tpu.sem_alloc : memref<!tpu.dma_semaphore, #tpu.memory_space<semaphore_mem>>
      %dma_start3A_54 = tpu.memref_slice %arg2[%mul3A_2] : memref<425984xi32, #tpu.memory_space<hbm>> -> memref<13312xi32, #tpu.memory_space<hbm>>
      %dma_start3A_55 = tpu.memref_slice %arg2[%mul3A_2] : memref<425984xi32, #tpu.memory_space<hbm>> -> memref<13312xi32, #tpu.memory_space<hbm>>
      tpu.enqueue_dma source(%dma_start3A_55 : memref<13312xi32, #tpu.memory_space<hbm>>) target(%arg5 : memref<13312xi32, #tpu.memory_space<vmem>>) target_semaphore(%run_scoped3A : memref<!tpu.dma_semaphore, #tpu.memory_space<semaphore_mem>>)
      %dma_wait3A_56 = tpu.memref_slice %arg2[%mul3A_2] : memref<425984xi32, #tpu.memory_space<hbm>> -> memref<13312xi32, #tpu.memory_space<hbm>>
      %dma_wait3A_57 = tpu.memref_slice %arg2[%mul3A_2] : memref<425984xi32, #tpu.memory_space<hbm>> -> memref<13312xi32, #tpu.memory_space<hbm>>
      tpu.wait_dma2 semaphore(%run_scoped3A : memref<!tpu.dma_semaphore, #tpu.memory_space<semaphore_mem>>) src(%dma_wait3A_57 : memref<13312xi32, #tpu.memory_space<hbm>>) dst(%arg5 : memref<13312xi32, #tpu.memory_space<vmem>>)
      tpu.yield
    }) : () -> ()
    %iota3A = tpu.iota {dimensions = array<i32: 0>} : vector<16xi32>
    %scan3A = arith.constant 0 : i32
    %scan3A_3 = arith.constant 0 : i32
    %scan3A_4 = arith.constant 832 : i32
    %scan3A_5 = arith.addi %scan3A_3, %scan3A_4 : i32
    %scan3A_6 = arith.constant 1 : i32
    scf.for %scan3A_54 = %scan3A_3 to %scan3A_5 step %scan3A_6  : i32 {
      %mul3A_55 = arith.constant 16 : i32
      %mul3A_56 = arith.muli %scan3A_54, %mul3A_55 : i32
      %add3A_57 = arith.addi %mul3A_2, %mul3A_56 : i32
      %add3A_58 = vector.broadcast %add3A_57 : i32 to vector<16xi32>
      %add3A_59 = arith.addi %add3A_58, %iota3A : vector<16xi32>
      %mul3A_60 = arith.constant 16 : i32
      %mul3A_61 = arith.muli %scan3A_54, %mul3A_60 : i32
      %get3A = arith.index_cast %mul3A_61 : i32 to index
      %get3A_62 = tpu.vector_load %arg5[%get3A] {strides = array<i32>} : memref<13312xi32, #tpu.memory_space<vmem>>, vector<16xi32>,
      %get3A_63 = vector.shape_cast %get3A_62 : vector<16xi32> to vector<16xi32>
      %jit3A = arith.constant 26 : i32
      %eq3A = arith.constant 0 : i32
      %eq3A_64 = arith.cmpi eq, %jit3A, %eq3A : i32
      %jit3A_65 = arith.constant 1 : i32
      %select_n3A = arith.select %eq3A_64, %jit3A_65, %jit3A : i32
      %rem3A = vector.broadcast %select_n3A : i32 to vector<16xi32>
      %rem3A_66 = arith.remsi %add3A_59, %rem3A : vector<16xi32>
      %ne3A = arith.constant 0 : i32
      %ne3A_67 = vector.broadcast %ne3A : i32 to vector<16xi32>
      %ne3A_68 = arith.cmpi ne, %rem3A_66, %ne3A_67 : vector<16xi32>
      %lt3A = arith.constant 0 : i32
      %lt3A_69 = vector.broadcast %lt3A : i32 to vector<16xi32>
      %lt3A_70 = arith.cmpi slt, %rem3A_66, %lt3A_69 : vector<16xi32>
      %lt3A_71 = arith.constant 0 : i32
      %lt3A_72 = arith.cmpi slt, %select_n3A, %lt3A_71 : i32
      %ne3A_73 = vector.broadcast %lt3A_72 : i1 to vector<16xi1>
      %ne3A_74 = vector.broadcast %ne3A_73 : vector<16xi1> to vector<16xi1>
      %ne3A_75 = arith.xori %lt3A_70, %ne3A_74 : vector<16xi1>
      %and3A = arith.andi %ne3A_75, %ne3A_68 : vector<16xi1>
      %add3A_76 = vector.broadcast %select_n3A : i32 to vector<16xi32>
      %add3A_77 = arith.addi %rem3A_66, %add3A_76 : vector<16xi32>
      %select_n3A_78 = arith.select %and3A, %add3A_77, %rem3A_66 : vector<16xi1>, vector<16xi32>
      %mul3A_79 = arith.constant 100000 : i32
      %mul3A_80 = vector.broadcast %mul3A_79 : i32 to vector<16xi32>
      %mul3A_81 = arith.muli %select_n3A_78, %mul3A_80 : vector<16xi32>
      %add3A_82 = arith.addi %get3A_63, %mul3A_81 : vector<16xi32>
      %mul3A_83 = arith.constant 16 : i32
      %mul3A_84 = arith.muli %scan3A_54, %mul3A_83 : i32
      %swap3A = arith.index_cast %mul3A_84 : i32 to index
      %swap3A_85 = tpu.vector_load %arg5[%swap3A] {strides = array<i32>} : memref<13312xi32, #tpu.memory_space<vmem>>, vector<16xi32>,
      %swap3A_86 = vector.shape_cast %swap3A_85 : vector<16xi32> to vector<16xi32>
      %swap3A_87 = vector.shape_cast %add3A_82 : vector<16xi32> to vector<16xi32>
      tpu.vector_store %arg5[%swap3A], %swap3A_87 {strides = array<i32>} : memref<13312xi32, #tpu.memory_space<vmem>>, vector<16xi32>,
    }
    %scan3A_7 = arith.constant 832 : i32
    %dma_start3A = arith.constant 0 : i32
    %dma_start3A_8 = tpu.memref_slice %arg5[%dma_start3A] : memref<13312xi32, #tpu.memory_space<vmem>> -> memref<3328xi32, #tpu.memory_space<vmem>>
    %dma_start3A_9 = arith.constant 0 : i32
    %dma_start3A_10 = arith.constant 0 : i32
    %dma_start3A_11 = tpu.memref_slice %arg3[%dma_start3A_9, %dma_start3A_10] : memref<2600000x16xf32, #tpu.memory_space<hbm>> -> memref<2600000x16xf32, #tpu.memory_space<hbm>>
    tpu.enqueue_indirect_dma source(%dma_start3A_11 : memref<2600000x16xf32, #tpu.memory_space<hbm>>) target(%arg6 : memref<3328x16xf32, #tpu.memory_space<vmem>>) offsets(%dma_start3A_8 : memref<3328xi32, #tpu.memory_space<vmem>>) semaphore(%arg8 : memref<!tpu.dma_semaphore, #tpu.memory_space<semaphore_mem>>)
    %dma_start3A_12 = arith.constant 3328 : i32
    %dma_start3A_13 = tpu.memref_slice %arg5[%dma_start3A_12] : memref<13312xi32, #tpu.memory_space<vmem>> -> memref<3328xi32, #tpu.memory_space<vmem>>
    %dma_start3A_14 = arith.constant 0 : i32
    %dma_start3A_15 = arith.constant 0 : i32
    %dma_start3A_16 = tpu.memref_slice %arg3[%dma_start3A_14, %dma_start3A_15] : memref<2600000x16xf32, #tpu.memory_space<hbm>> -> memref<2600000x16xf32, #tpu.memory_space<hbm>>
    tpu.enqueue_indirect_dma source(%dma_start3A_16 : memref<2600000x16xf32, #tpu.memory_space<hbm>>) target(%arg7 : memref<3328x16xf32, #tpu.memory_space<vmem>>) offsets(%dma_start3A_13 : memref<3328xi32, #tpu.memory_space<vmem>>) semaphore(%arg9 : memref<!tpu.dma_semaphore, #tpu.memory_space<semaphore_mem>>)
    %dma_wait3A = arith.constant 0 : i32
    %dma_wait3A_17 = tpu.memref_slice %arg5[%dma_wait3A] : memref<13312xi32, #tpu.memory_space<vmem>> -> memref<3328xi32, #tpu.memory_space<vmem>>
    %dma_wait3A_18 = arith.constant 0 : i32
    %dma_wait3A_19 = arith.constant 0 : i32
    %dma_wait3A_20 = tpu.memref_slice %arg3[%dma_wait3A_18, %dma_wait3A_19] : memref<2600000x16xf32, #tpu.memory_space<hbm>> -> memref<2600000x16xf32, #tpu.memory_space<hbm>>
    tpu.wait_indirect_dma semaphore(%arg8 : memref<!tpu.dma_semaphore, #tpu.memory_space<semaphore_mem>>) src(%dma_wait3A_20 : memref<2600000x16xf32, #tpu.memory_space<hbm>>) dst(%arg6 : memref<3328x16xf32, #tpu.memory_space<vmem>>)
    %add3A_21 = arith.constant 0 : i32
    %add3A_22 = arith.addi %mul3A_2, %add3A_21 : i32
    "tpu.region"() ({
      %run_scoped3A = tpu.sem_alloc : memref<!tpu.dma_semaphore, #tpu.memory_space<semaphore_mem>>
      %dma_start3A_54 = arith.constant 0 : i32
      %dma_start3A_55 = tpu.memref_slice %arg4[%add3A_22, %dma_start3A_54] : memref<425984x16xf32, #tpu.memory_space<hbm>> -> memref<3328x16xf32, #tpu.memory_space<hbm>>
      %dma_start3A_56 = arith.constant 0 : i32
      %dma_start3A_57 = tpu.memref_slice %arg4[%add3A_22, %dma_start3A_56] : memref<425984x16xf32, #tpu.memory_space<hbm>> -> memref<3328x16xf32, #tpu.memory_space<hbm>>
      tpu.enqueue_dma source(%arg6 : memref<3328x16xf32, #tpu.memory_space<vmem>>) target(%dma_start3A_57 : memref<3328x16xf32, #tpu.memory_space<hbm>>) target_semaphore(%run_scoped3A : memref<!tpu.dma_semaphore, #tpu.memory_space<semaphore_mem>>)
      %dma_wait3A_58 = arith.constant 0 : i32
      %dma_wait3A_59 = tpu.memref_slice %arg4[%add3A_22, %dma_wait3A_58] : memref<425984x16xf32, #tpu.memory_space<hbm>> -> memref<3328x16xf32, #tpu.memory_space<hbm>>
      %dma_wait3A_60 = arith.constant 0 : i32
      %dma_wait3A_61 = tpu.memref_slice %arg4[%add3A_22, %dma_wait3A_60] : memref<425984x16xf32, #tpu.memory_space<hbm>> -> memref<3328x16xf32, #tpu.memory_space<hbm>>
      tpu.wait_dma2 semaphore(%run_scoped3A : memref<!tpu.dma_semaphore, #tpu.memory_space<semaphore_mem>>) src(%arg6 : memref<3328x16xf32, #tpu.memory_space<vmem>>) dst(%dma_wait3A_61 : memref<3328x16xf32, #tpu.memory_space<hbm>>)
      tpu.yield
    }) : () -> ()
    %dma_start3A_23 = arith.constant 6656 : i32
    %dma_start3A_24 = tpu.memref_slice %arg5[%dma_start3A_23] : memref<13312xi32, #tpu.memory_space<vmem>> -> memref<3328xi32, #tpu.memory_space<vmem>>
    %dma_start3A_25 = arith.constant 0 : i32
    %dma_start3A_26 = arith.constant 0 : i32
    %dma_start3A_27 = tpu.memref_slice %arg3[%dma_start3A_25, %dma_start3A_26] : memref<2600000x16xf32, #tpu.memory_space<hbm>> -> memref<2600000x16xf32, #tpu.memory_space<hbm>>
    tpu.enqueue_indirect_dma source(%dma_start3A_27 : memref<2600000x16xf32, #tpu.memory_space<hbm>>) target(%arg6 : memref<3328x16xf32, #tpu.memory_space<vmem>>) offsets(%dma_start3A_24 : memref<3328xi32, #tpu.memory_space<vmem>>) semaphore(%arg8 : memref<!tpu.dma_semaphore, #tpu.memory_space<semaphore_mem>>)
    %dma_wait3A_28 = arith.constant 3328 : i32
    %dma_wait3A_29 = tpu.memref_slice %arg5[%dma_wait3A_28] : memref<13312xi32, #tpu.memory_space<vmem>> -> memref<3328xi32, #tpu.memory_space<vmem>>
    %dma_wait3A_30 = arith.constant 0 : i32
    %dma_wait3A_31 = arith.constant 0 : i32
    %dma_wait3A_32 = tpu.memref_slice %arg3[%dma_wait3A_30, %dma_wait3A_31] : memref<2600000x16xf32, #tpu.memory_space<hbm>> -> memref<2600000x16xf32, #tpu.memory_space<hbm>>
    tpu.wait_indirect_dma semaphore(%arg9 : memref<!tpu.dma_semaphore, #tpu.memory_space<semaphore_mem>>) src(%dma_wait3A_32 : memref<2600000x16xf32, #tpu.memory_space<hbm>>) dst(%arg7 : memref<3328x16xf32, #tpu.memory_space<vmem>>)
    %add3A_33 = arith.constant 3328 : i32
    %add3A_34 = arith.addi %mul3A_2, %add3A_33 : i32
    "tpu.region"() ({
      %run_scoped3A = tpu.sem_alloc : memref<!tpu.dma_semaphore, #tpu.memory_space<semaphore_mem>>
      %dma_start3A_54 = arith.constant 0 : i32
      %dma_start3A_55 = tpu.memref_slice %arg4[%add3A_34, %dma_start3A_54] : memref<425984x16xf32, #tpu.memory_space<hbm>> -> memref<3328x16xf32, #tpu.memory_space<hbm>>
      %dma_start3A_56 = arith.constant 0 : i32
      %dma_start3A_57 = tpu.memref_slice %arg4[%add3A_34, %dma_start3A_56] : memref<425984x16xf32, #tpu.memory_space<hbm>> -> memref<3328x16xf32, #tpu.memory_space<hbm>>
      tpu.enqueue_dma source(%arg7 : memref<3328x16xf32, #tpu.memory_space<vmem>>) target(%dma_start3A_57 : memref<3328x16xf32, #tpu.memory_space<hbm>>) target_semaphore(%run_scoped3A : memref<!tpu.dma_semaphore, #tpu.memory_space<semaphore_mem>>)
      %dma_wait3A_58 = arith.constant 0 : i32
      %dma_wait3A_59 = tpu.memref_slice %arg4[%add3A_34, %dma_wait3A_58] : memref<425984x16xf32, #tpu.memory_space<hbm>> -> memref<3328x16xf32, #tpu.memory_space<hbm>>
      %dma_wait3A_60 = arith.constant 0 : i32
      %dma_wait3A_61 = tpu.memref_slice %arg4[%add3A_34, %dma_wait3A_60] : memref<425984x16xf32, #tpu.memory_space<hbm>> -> memref<3328x16xf32, #tpu.memory_space<hbm>>
      tpu.wait_dma2 semaphore(%run_scoped3A : memref<!tpu.dma_semaphore, #tpu.memory_space<semaphore_mem>>) src(%arg7 : memref<3328x16xf32, #tpu.memory_space<vmem>>) dst(%dma_wait3A_61 : memref<3328x16xf32, #tpu.memory_space<hbm>>)
      tpu.yield
    }) : () -> ()
    %dma_start3A_35 = arith.constant 9984 : i32
    %dma_start3A_36 = tpu.memref_slice %arg5[%dma_start3A_35] : memref<13312xi32, #tpu.memory_space<vmem>> -> memref<3328xi32, #tpu.memory_space<vmem>>
    %dma_start3A_37 = arith.constant 0 : i32
    %dma_start3A_38 = arith.constant 0 : i32
    %dma_start3A_39 = tpu.memref_slice %arg3[%dma_start3A_37, %dma_start3A_38] : memref<2600000x16xf32, #tpu.memory_space<hbm>> -> memref<2600000x16xf32, #tpu.memory_space<hbm>>
    tpu.enqueue_indirect_dma source(%dma_start3A_39 : memref<2600000x16xf32, #tpu.memory_space<hbm>>) target(%arg7 : memref<3328x16xf32, #tpu.memory_space<vmem>>) offsets(%dma_start3A_36 : memref<3328xi32, #tpu.memory_space<vmem>>) semaphore(%arg9 : memref<!tpu.dma_semaphore, #tpu.memory_space<semaphore_mem>>)
    %dma_wait3A_40 = arith.constant 6656 : i32
    %dma_wait3A_41 = tpu.memref_slice %arg5[%dma_wait3A_40] : memref<13312xi32, #tpu.memory_space<vmem>> -> memref<3328xi32, #tpu.memory_space<vmem>>
    %dma_wait3A_42 = arith.constant 0 : i32
    %dma_wait3A_43 = arith.constant 0 : i32
    %dma_wait3A_44 = tpu.memref_slice %arg3[%dma_wait3A_42, %dma_wait3A_43] : memref<2600000x16xf32, #tpu.memory_space<hbm>> -> memref<2600000x16xf32, #tpu.memory_space<hbm>>
    tpu.wait_indirect_dma semaphore(%arg8 : memref<!tpu.dma_semaphore, #tpu.memory_space<semaphore_mem>>) src(%dma_wait3A_44 : memref<2600000x16xf32, #tpu.memory_space<hbm>>) dst(%arg6 : memref<3328x16xf32, #tpu.memory_space<vmem>>)
    %add3A_45 = arith.constant 6656 : i32
    %add3A_46 = arith.addi %mul3A_2, %add3A_45 : i32
    "tpu.region"() ({
      %run_scoped3A = tpu.sem_alloc : memref<!tpu.dma_semaphore, #tpu.memory_space<semaphore_mem>>
      %dma_start3A_54 = arith.constant 0 : i32
      %dma_start3A_55 = tpu.memref_slice %arg4[%add3A_46, %dma_start3A_54] : memref<425984x16xf32, #tpu.memory_space<hbm>> -> memref<3328x16xf32, #tpu.memory_space<hbm>>
      %dma_start3A_56 = arith.constant 0 : i32
      %dma_start3A_57 = tpu.memref_slice %arg4[%add3A_46, %dma_start3A_56] : memref<425984x16xf32, #tpu.memory_space<hbm>> -> memref<3328x16xf32, #tpu.memory_space<hbm>>
      tpu.enqueue_dma source(%arg6 : memref<3328x16xf32, #tpu.memory_space<vmem>>) target(%dma_start3A_57 : memref<3328x16xf32, #tpu.memory_space<hbm>>) target_semaphore(%run_scoped3A : memref<!tpu.dma_semaphore, #tpu.memory_space<semaphore_mem>>)
      %dma_wait3A_58 = arith.constant 0 : i32
      %dma_wait3A_59 = tpu.memref_slice %arg4[%add3A_46, %dma_wait3A_58] : memref<425984x16xf32, #tpu.memory_space<hbm>> -> memref<3328x16xf32, #tpu.memory_space<hbm>>
      %dma_wait3A_60 = arith.constant 0 : i32
      %dma_wait3A_61 = tpu.memref_slice %arg4[%add3A_46, %dma_wait3A_60] : memref<425984x16xf32, #tpu.memory_space<hbm>> -> memref<3328x16xf32, #tpu.memory_space<hbm>>
      tpu.wait_dma2 semaphore(%run_scoped3A : memref<!tpu.dma_semaphore, #tpu.memory_space<semaphore_mem>>) src(%arg6 : memref<3328x16xf32, #tpu.memory_space<vmem>>) dst(%dma_wait3A_61 : memref<3328x16xf32, #tpu.memory_space<hbm>>)
      tpu.yield
    }) : () -> ()
    %dma_wait3A_47 = arith.constant 9984 : i32
    %dma_wait3A_48 = tpu.memref_slice %arg5[%dma_wait3A_47] : memref<13312xi32, #tpu.memory_space<vmem>> -> memref<3328xi32, #tpu.memory_space<vmem>>
    %dma_wait3A_49 = arith.constant 0 : i32
    %dma_wait3A_50 = arith.constant 0 : i32
    %dma_wait3A_51 = tpu.memref_slice %arg3[%dma_wait3A_49, %dma_wait3A_50] : memref<2600000x16xf32, #tpu.memory_space<hbm>> -> memref<2600000x16xf32, #tpu.memory_space<hbm>>
    tpu.wait_indirect_dma semaphore(%arg9 : memref<!tpu.dma_semaphore, #tpu.memory_space<semaphore_mem>>) src(%dma_wait3A_51 : memref<2600000x16xf32, #tpu.memory_space<hbm>>) dst(%arg7 : memref<3328x16xf32, #tpu.memory_space<vmem>>)
    %add3A_52 = arith.constant 9984 : i32
    %add3A_53 = arith.addi %mul3A_2, %add3A_52 : i32
    "tpu.region"() ({
      %run_scoped3A = tpu.sem_alloc : memref<!tpu.dma_semaphore, #tpu.memory_space<semaphore_mem>>
      %dma_start3A_54 = arith.constant 0 : i32
      %dma_start3A_55 = tpu.memref_slice %arg4[%add3A_53, %dma_start3A_54] : memref<425984x16xf32, #tpu.memory_space<hbm>> -> memref<3328x16xf32, #tpu.memory_space<hbm>>
      %dma_start3A_56 = arith.constant 0 : i32
      %dma_start3A_57 = tpu.memref_slice %arg4[%add3A_53, %dma_start3A_56] : memref<425984x16xf32, #tpu.memory_space<hbm>> -> memref<3328x16xf32, #tpu.memory_space<hbm>>
      tpu.enqueue_dma source(%arg7 : memref<3328x16xf32, #tpu.memory_space<vmem>>) target(%dma_start3A_57 : memref<3328x16xf32, #tpu.memory_space<hbm>>) target_semaphore(%run_scoped3A : memref<!tpu.dma_semaphore, #tpu.memory_space<semaphore_mem>>)
      %dma_wait3A_58 = arith.constant 0 : i32
      %dma_wait3A_59 = tpu.memref_slice %arg4[%add3A_53, %dma_wait3A_58] : memref<425984x16xf32, #tpu.memory_space<hbm>> -> memref<3328x16xf32, #tpu.memory_space<hbm>>
      %dma_wait3A_60 = arith.constant 0 : i32
      %dma_wait3A_61 = tpu.memref_slice %arg4[%add3A_53, %dma_wait3A_60] : memref<425984x16xf32, #tpu.memory_space<hbm>> -> memref<3328x16xf32, #tpu.memory_space<hbm>>
      tpu.wait_dma2 semaphore(%run_scoped3A : memref<!tpu.dma_semaphore, #tpu.memory_space<semaphore_mem>>) src(%arg7 : memref<3328x16xf32, #tpu.memory_space<vmem>>) dst(%dma_wait3A_61 : memref<3328x16xf32, #tpu.memory_space<hbm>>)
      tpu.yield
    }) : () -> ()
    return
  }
}

</mosaic_0001>

<sc_bundles>
// kernel: kernel.3.cloned.1.call-start
scs
__scs_entry_jumppad:
0x0: {  	(pc) =	sbr.rel $0x88, $3  }
0x1: {  	(tag) =	ssettag $0x0;
	lr =	simm.s32 $0x1  }
0x2: {  	[smem:$0x3F9F] =	sst lr;
	_ =	strace $0xD0000000  }
0x3: {  	_ = 	snop  }
0x4: {  	_ = 	snop  }
0x5: {  	_ = 	snop  }
0x6: {  	_ = 	snop  }
0x7: {  	_ = 	snop  }
__scs_overlays_trampoline_lowered:
0x8: {  	[smem:$0x3FAE] =	sst s0  }
0x9: {  	[smem:$0x3FAF] =	sst s1  }
0xa: {  	[smem:$0x3FB0] =	sst s2  }
0xb: {  	[smem:$0x3FB1] =	sst s3  }
0xc: {  	[smem:$0x3FB2] =	sst s4  }
0xd: {  	[smem:$0x3FB3] =	sst s5  }
0xe: {  	[smem:$0x3FB4] =	sst s6  }
0xf: {  	[smem:$0x3FB5] =	sst s7  }
0x10: {  	[smem:$0x3FB6] =	sst s8  }
0x11: {  	[smem:$0x3FB7] =	sst s9;
	s0 =	simm.s32 @!p0 $0x0  }
0x12: {  	s1 =	sld [smem:$0x3F9D];
	s0 =	simm.s32 @p0 $0x1  }
0x13: {  	[smem:$0x3FB8] =	sst s0;
	s0 =	simm.s32 @!p1 $0x0  }
0x14: {  	s2 =	sld [smem:$0x3F9C];
	s0 =	simm.s32 @p1 $0x1  }
0x15: {  	[smem:$0x3FB9] =	sst s0;
	s0 =	simm.s32 @!p2 $0x0  }
0x16: {  	s3 =	sld [smem:$0x3FDB];
	s0 =	simm.s32 @p2 $0x1  }
0x17: {  	s4 =	simm.s32 $0x1BF5;
	[smem:$0x3FBB] =	sst s0  }
0x18: {  	s0 =	sld [smem:$0x3F9E];
	_ =	swait.ge [sflag:s4], $0x0  }
0x19: {  	s7 =	sld [smem:$0x3F9F]  }
0x1a: {  	s8 =	sadd.s32 $0xFFFFE003, lr  }
0x1b: {  	s9 =	sadd.s32 $0xFFFFFEF7, lr;
	s5 =	simm.s32 $0xFFFFFFFF;
	p2 =	slt.u32 s8, $0xFFFFF086  }
0x1c: {  	p1 =	slt.u32 s9, $0xF7A;
	s5 =	simm.s32 @!p2 $0x0  }
0x1d: {  	s5 =	simm.s32 @p1 $0x1;
	p0 =	seq.s32 s7, s2  }
0x1e: {  	s7 =	smul.u32 @!p0 $0xF7A, s2;
	p2 =	seq.s32 @!p0 s5, $0x0  }
0x1f: {  	s9 =	smul.u32 $0xF7A, s1;
	s8 =	simm.s32 @!p0 $0x1BF5;
	p2 =	por !p2, p0  }
0x20: {  	[sflag:s8] =	ssyncset.s32 @!p0 $0xFFFFF086;
	s6 =	sadd.s32 @!p0 s3, s7;
	s7 =	simm.s32 @!p0 $0x108  }
0x21: {  	s3 =	sadd.s32 s3, s9;
	s6 =	sadd.s32 @!p0 $0x88, s6;
	s7 =	simm.s32 @p2 $0x1082  }
0x22: {  	[simem:s7], [sflag:s8] =	dma.local @!p0 [hbm:s6], $0xF7A  }
0x23: {  	s9 =	sor.u32 $0xD0000000, s2;
	s6 =	simm.s32 $0x108;
	_ =	swait.ge @!p0 [sflag:s8], $0x0  }
0x24: {  	s3 =	sadd.s32 $0x88, s3;
	s6 =	simm.s32 @!p1 $0x1082;
	[sflag:s4] =	ssyncset.s32 $0xFFFFF086  }
0x25: {  	[simem:s6], [sflag:s4] =	dma.local [hbm:s3], $0xF7A  }
0x26: {  	[smem:$0x3F9F] =	sst s1;
	(tag) =	ssettag s2;
	_ =	strace s9  }
0x27: {  	s1 =	sld [smem:$0x3FAF]  }
0x28: {  	s2 =	sld [smem:$0x3FB0]  }
0x29: {  	s4 =	sld [smem:$0x3FB2]  }
0x2a: {  	p0 =	seq.s32 s5, $0x0;
	s5 =	sld [smem:$0x3FB3]  }
0x2b: {  	s6 =	sld [smem:$0x3FB4]  }
0x2c: {  	s7 =	sld [smem:$0x3FB5]  }
0x2d: {  	s3 =	simm.s32 $0x108;
	s8 =	sld [smem:$0x3FB6]  }
0x2e: {  	s3 =	simm.s32 @!p0 $0x1082;
	s9 =	sld [smem:$0x3FB7]  }
0x2f: {  	lr =	sadd.s32 s0, s3;
	s0 =	sld [smem:$0x3FAE]  }
0x30: {  	s3 =	sld [smem:$0x3FB1]  }
0x31: {  	[smem:$0x3FBA] =	sst s10  }
0x32: {  	s10 =	sld [smem:$0x3FB8];
	_ =	sdelay $0x3  }
0x33: {  	p0 =	seq.s32 s10, $0x1;
	s10 =	sld [smem:$0x3FBA];
	_ =	sdelay $0x3  }
0x34: {  	[smem:$0x3FBA] =	sst s10  }
0x35: {  	s10 =	sld [smem:$0x3FB9];
	_ =	sdelay $0x3  }
0x36: {  	p1 =	seq.s32 s10, $0x1;
	s10 =	sld [smem:$0x3FBA];
	_ =	sdelay $0x3  }
0x37: {  	[smem:$0x3FBA] =	sst s10  }
0x38: {  	s10 =	sld [smem:$0x3FBB]  }
0x39: {  	_ = 	snop;
	(pc) =	sbr.ind lr, $3  }
0x3a: {  	_ = 	snop  }
0x3b: {  	_ = 	snop  }
0x3c: {  	p2 =	seq.s32 s10, $0x1;
	s10 =	sld [smem:$0x3FBA]  }
0x3d: {  	_ =	shalt  }
0x3e: {  	_ =	shalt  }
0x3f: {  	_ =	shalt  }
0x40: {  	_ =	shalt  }
0x41: {  	_ =	shalt  }
0x42: {  	_ =	shalt  }
0x43: {  	_ =	shalt  }
0x44: {  	_ =	shalt  }
0x45: {  	_ =	shalt  }
0x46: {  	_ =	shalt  }
0x47: {  	_ =	shalt  }
0x48: {  	_ =	shalt  }
0x49: {  	_ =	shalt  }
0x4a: {  	_ =	shalt  }
0x4b: {  	_ =	shalt  }
0x4c: {  	_ =	shalt  }
0x4d: {  	_ =	shalt  }
0x4e: {  	_ =	shalt  }
0x4f: {  	_ =	shalt  }
0x50: {  	_ =	shalt  }
0x51: {  	_ =	shalt  }
0x52: {  	_ =	shalt  }
0x53: {  	_ =	shalt  }
0x54: {  	_ =	shalt  }
0x55: {  	_ =	shalt  }
0x56: {  	_ =	shalt  }
0x57: {  	_ =	shalt  }
0x58: {  	_ =	shalt  }
0x59: {  	_ =	shalt  }
0x5a: {  	_ =	shalt  }
0x5b: {  	_ =	shalt  }
0x5c: {  	_ =	shalt  }
0x5d: {  	_ =	shalt  }
0x5e: {  	_ =	shalt  }
0x5f: {  	_ =	shalt  }
0x60: {  	_ =	shalt  }
0x61: {  	_ =	shalt  }
0x62: {  	_ =	shalt  }
0x63: {  	_ =	shalt  }
0x64: {  	_ =	shalt  }
0x65: {  	_ =	shalt  }
0x66: {  	_ =	shalt  }
0x67: {  	_ =	shalt  }
0x68: {  	_ =	shalt  }
0x69: {  	_ =	shalt  }
0x6a: {  	_ =	shalt  }
0x6b: {  	_ =	shalt  }
0x6c: {  	_ =	shalt  }
0x6d: {  	_ =	shalt  }
0x6e: {  	_ =	shalt  }
0x6f: {  	_ =	shalt  }
0x70: {  	_ =	shalt  }
0x71: {  	_ =	shalt  }
0x72: {  	_ =	shalt  }
0x73: {  	_ =	shalt  }
0x74: {  	_ =	shalt  }
0x75: {  	_ =	shalt  }
0x76: {  	_ =	shalt  }
0x77: {  	_ =	shalt  }
0x78: {  	_ =	shalt  }
0x79: {  	_ =	shalt  }
0x7a: {  	_ =	shalt  }
0x7b: {  	_ =	shalt  }
0x7c: {  	_ =	shalt  }
0x7d: {  	_ =	shalt  }
0x7e: {  	_ =	shalt  }
0x7f: {  	_ =	shalt  }
0x80: {  	_ =	shalt  }
0x81: {  	_ =	shalt  }
0x82: {  	_ =	shalt  }
0x83: {  	_ =	shalt  }
0x84: {  	_ =	shalt  }
0x85: {  	_ =	shalt  }
0x86: {  	_ =	shalt  }
0x87: {  	_ =	shalt  }
.Lfunc_end0:
.L_simem_size_0:
called_computation_lowered:
.L_overlay_start_0:
0x88: {  	s2 =	sld [smem:$0x3FD9]  }
0x89: {  	s3 =	sld [smem:$0x3FFE];
	_ =	sdelay $0x1  }
0x8a: {  	s1 =	srdreg.scid  }
0x8b: {  	s0 =	sand.u32 $0x1, s1  }
0x8c: {  	s17 =	sshll.u32 s0, $0xA;
	s2 =	sadd.s32 s3, s2  }
0x8d: {  	s2 =	sadd.s32 s2, s17  }
0x8e: {  	[smem:$0x3FC6] =	sst s2  }
0x8f: {  	_ = 	snop  }
0x90: {  	s2 =	sld [smem:$0x3FD0];
	(tm) =	ssettm $0x1  }
0x91: {  	s18 =	sld [smem:$0x3FFB];
	_ =	sdelay $0x3  }
0x92: {  	_ =	strace s18  }
0x93: {  	s3 =	sld [smem:$0x3FFC];
	_ =	sdelay $0x3  }
0x94: {  	_ =	strace s3  }
0x95: {  	s3 =	sld [smem:$0x3FFD];
	_ =	sdelay $0x3  }
0x96: {  	_ =	strace s3  }
0x97: {  	_ =	strace $0x8FFFFFFF  }
0x98: {  	s19 =	sld [smem:$0x3FDB];
	_ =	sdelay $0x1  }
0x99: {  	s4 =	simm.s32 $_scs_section_size  }
0x9a: {  	s5 =	simm.s32 $_size__tile_overlayer_lowered;
	s6 =	simm.s32 $_tile_overlayer_lowered  }
0x9b: {  	s22 =	simm.s32 $0x1BFF;
	s21 =	sshll.u32 s6, $0x1;
	s3 =	sadd.s32 s4, s19  }
0x9c: {  	s7 =	simm.s32 $0x0;
	s20 =	sshll.u32 s5, $0x1;
	s5 =	sadd.s32 s21, s3  }
0x9d: {  	[timem:s7], [sflag:s22] =	dma.local [hbm:s5], s20  }
0x9e: {  	_ =	swait.ge [sflag:s22], s20  }
0x9f: {  	s4 =	ssub.s32 $0x0, s20;
	[sflag:s22] =	ssyncset.done $0x0  }
0xa0: {  	[sflag:s22] =	ssyncadd.s32 s4;
	_ =	sdelay $0x1  }
0xa1: {  	s23 =	simm.s32 $0x1B8B  }
0xa2: {  	_ =	swait.ge [sflag:s23], $0x1  }
0xa3: {  	[sflag:s23] =	ssyncset.done $0x0  }
0xa4: {  	s25 =	simm.s32 $0x1B8E;
	s24 =	sld [smem:$0x3FFE];
	[sflag:s23] =	ssyncadd.s32 $0xFFFFFFFF  }
0xa5: {  	s26 =	simm.s32 $execute0_lowered;
	[smem:$0x3FD2] =	sst s25  }
0xa6: {  	s5 =	sshll.u32 s26, $0x1;
	_ =	strace $0x80000046;
	[dreg:$0x1] =	wrdreg $0xFFFFFFFF  }
0xa7: {  	s28 =	simm.s32 $_size_execute0_lowered;
	s3 =	sadd.s32 s3, s5;
	[dreg:$0x0] =	wrdreg $0x0  }
0xa8: {  	s5 =	sshll.u32 s28, $0x1;
	[dreg:$0x2] =	wrdreg s3  }
0xa9: {  	[dreg:$0x3] =	wrdreg s5  }
0xaa: {  	[dreg:$0x4] =	wrdreg $0xC0  }
0xab: {  	_ =	task [dreg:s7], $0x5FFFF  }
0xac: {  	[dreg:$0x1] =	wrdreg $0xFFFFFFFF  }
0xad: {  	[dreg:$0x0] =	wrdreg $0x60  }
0xae: {  	[dreg:$0x2] =	wrdreg s24  }
0xaf: {  	[dreg:$0x3] =	wrdreg s2  }
0xb0: {  	[dreg:$0x4] =	wrdreg $0x9  }
0xb1: {  	_ =	task.clear_ibuf [dreg:s7], $0x5FFFF;
	_ =	strace $0x90000046  }
0xb2: {  	s29 =	simm.s32 $0x9;
	_ =	strace $0x80000048  }
0xb3: {  	_ =	swait.ge [sflag:s29], $0x1  }
0xb4: {  	[sflag:s29] =	ssyncadd.s32 $0xFFFFFFFF  }
0xb5: {  	_ =	strace $0x90000048  }
0xb6: {  	_ =	sfence  }
0xb7: {  	s30 =	sld [smem:$0x0];
	_ =	sdelay $0x2  }
0xb8: {  	s31 =	sshll.u32 s1, $0xD;
	s1 =	sshrl.u32 s1, $0x2  }
0xb9: {  	s3 =	sand.u32 $0x4000, s31;
	s1 =	sadd.s32 s1, s30  }
0xba: {  	s0 =	sor.u32 s3, s0;
	s1 =	sshll.u32 s1, $0x11  }
0xbb: {  	s0 =	sor.u32 s1, s0  }
0xbc: {  	s0 =	sadd.s32 $0x8F2B, s0  }
0xbd: {  	[sflag:s0] =	ssyncadd.remote.s32 $0x1  }
0xbe: {  	_ =	sfence.sel $0xFFFF  }
0xbf: {  	[dreg:$0x0] =	wrdreg $0xFFFFFFFF;
	(pc) =	sbr.abs _section_cstart, $3  }
0xc0: {  	[dreg:$0x1] =	wrdreg $0xFFFFFFFF  }
0xc1: {  	_ =	task.clear_ibuf [dreg:s7], $0x2FFFF;
	_ =	strace $0x9FFFFFFF  }
0xc2: {  	(tm) =	ssettm $0x7FFFFFFF  }
0xc3: {  	_ =	shalt  }
tec
execute0_lowered:
.L_overlay_start_1:
0x0: {  	(tag) =	ssettag $0x1  }
0x1: {  	s1 =	srdreg.scid;
	s3 =	rddreg [dreg:$0x0]  }
0x2: {  	s0 =	stileid.u32;
	s6 =	rddreg [dreg:$0x1]  }
0x3: {  	s2 =	simm.s32 $0x0;
	s14 =	simm.s32 $0x10400;
	s15 =	simm.s32 $0x1  }
0x4: {  	s16 =	simm.s32 $0x1A00;
	s5 =	sand.u32 $0x1, s1;
	s30 =	sshll.u32 s0, $0x1  }
0x5: {  	s17 =	simm.s32 $0x2;
	s12 =	smul.u32 $0x6800, s0;
	s4 =	sor.u32 s5, s30  }
0x6: {  	s18 =	simm.s32 $0x2700;
	s19 =	simm.s32 $0x0;
	s7 =	smul.u32 $0x3400, s4  }
0x7: {  	s1 =	rddreg [dreg:$0x2];
	s8 =	ssub.s32 $0x2, s5;
	s9 =	smul.u32 $0x34000, s4  }
0x8: {  	[smem:$0x7FF] =	sst s2;
	s10 =	sshrl.u32 s8, $0x1;
	s11 =	smul.u32 $0x6800, s4  }
0x9: {  	_ =	strace $0x80000047;
	s13 =	smul.u32 $0x3400, s5;
	s10 =	ssub.s32 s8, s10  }
0xa: {  	s7 =	sshrl.u32 s7, $0x3;
	s31 =	sshrl.u32 s9, $0x3;
	s5 =	sadd.s32 s6, s11  }
0xb: {  	s9 =	smax.u32 s10, $0x1;
	s10 =	sadd.s32 s13, s12;
	s11 =	simm.s32 $0x3  }
0xc: {  	s12 =	simm.s32 $0xD00;
	s13 =	simm.s32 $0x3400;
	s7 =	sadd.s32 s7, s3  }
0xd: {  	s3 =	sadd.s32 $0x27ACA00, s3;
	s8 =	sadd.s32 s6, s31;
	s4 =	sadd.s32 $0x600, s7  }
0xe: {  	v0 =	vlaneseq.u32;
	s6 =	sadd.s32 $0x1A00, s8;
	s7 =	sadd.s32 $0x3400, s8;
	s8 =	sadd.s32 $0x4E00, s8  }
.LBB2_1:
0xf: {  	v1 =	vor.u32 s10, v0  }
0x10: {  	v2 =	vmulhi.u32 $0x4EC4EC4F, v1  }
0x11: {  	[tilespmem:s2], [sflag:$0x3] =	stream.linear.gather [hbm4b:s4+s2], $0x3400, $0x38;
	[tilespmem:$0x1D400] =	vst v63  }
0x12: {  	_ =	swait.ge [sflag:s11], $0x3400;
	v2 =	vshrl.u32 v2, $0x3  }
0x13: {  	[sflag:s11] =	ssyncset.done $0x0;
	v2 =	vmul.u32 $0x1A, v2  }
0x14: {  	s20 =	simm.s32 $0x0;
	[sflag:s11] =	ssyncadd.s32 $0xFFFFCC00  }
0x15: {  	v3 =	vsub.s32 v1, v2;
	v2 =	vld [tilespmem:s20+$0x0];
	_ =	sdelay $0x1  }
0x16: {  	s22 =	sadd.s32 $0x10, s10  }
0x17: {  	s21 =	simm.s32 $0x40;
	s23 =	simm.s32 $0x80;
	v1 =	vor.u32 s22, v0;
	v3 =	vmul.u32 $0x186A0, v3  }
.LBB2_2:
0x18: {  	p0 =	sne.s32 s23, $0xCFC0;
	v4 =	vmulhi.u32 $0x4EC4EC4F, v1  }
0x19: {  	v2 =	vadd.s32 v3, v2  }
.Ltmp0:
0x1a: {  	v3 =	vshrl.u32 v4, $0x3;
	[tilespmem:s20+$0x0] =	vst v2;
	s20 =	sshra.s32 s21, $0x2;
	s21 =	smov.u32 s23;
	(pc) =	sbr.rel @p0 .LBB2_2-.Ltmp0, $3  }
0x1b: {  	v2 =	vld [tilespmem:s20+$0x0];
	v3 =	vmul.u32 $0x1A, v3;
	_ =	sdelay $0x1  }
0x1c: {  	s22 =	sadd.s32 $0x10, s22;
	v3 =	vsub.s32 v1, v3  }
0x1d: {  	s23 =	sadd.s32 $0x40, s23;
	v1 =	vor.u32 s22, v0;
	v3 =	vmul.u32 $0x186A0, v3  }
0x1e: {  	v4 =	vmulhi.u32 $0x4EC4EC4F, v1  }
0x1f: {  	v2 =	vadd.s32 v3, v2  }
0x20: {  	s21 =	sshra.s32 s21, $0x2;
	v3 =	vshrl.u32 v4, $0x3;
	[tilespmem:s20+$0x0] =	vst v2  }
0x21: {  	v2 =	vld [tilespmem:s21+$0x0];
	v3 =	vmul.u32 $0x1A, v3;
	_ =	sdelay $0x1  }
0x22: {  	v1 =	vsub.s32 v1, v3  }
0x23: {  	v1 =	vmul.u32 $0x186A0, v1;
	_ =	sdelay $0x1  }
0x24: {  	v1 =	vadd.s32 v1, v2  }
0x25: {  	[tilespmem:s21+$0x0] =	vst v1  }
0x26: {  	[tilespmem:s13], [sflag:$0x1] =	stream.indirect.gather [hbm4b:s3+s12], $0x10, s2, s12, $0xb8;
	[tilespmem:$0x1D400] =	vst v63  }
0x27: {  	_ = 	snop  }
0x28: {  	[tilespmem:s14], [sflag:$0x2] =	stream.indirect.gather [hbm4b:s3+s12], $0x10, s12, s12, $0xb8;
	[tilespmem:$0x1D400] =	vst v63  }
0x29: {  	_ =	swait.ge [sflag:s15], $0xD000  }
0x2a: {  	[sflag:s15] =	ssyncset.done $0x0  }
0x2b: {  	[sflag:s15] =	ssyncadd.s32 $0xFFFF3000  }
0x2c: {  	[hbm4b:s5+s2] =	stream.linear.scatter [tilespmem:s13], [sflag:$0x3], $0xD000, $0x38;
	[tilespmem:$0x1D400] =	vst v63  }
0x2d: {  	_ =	swait.ge [sflag:s11], $0xD000  }
0x2e: {  	[sflag:s11] =	ssyncset.done $0x0  }
0x2f: {  	[sflag:s11] =	ssyncadd.s32 $0xFFFF3000  }
0x30: {  	[tilespmem:s13], [sflag:$0x1] =	stream.indirect.gather [hbm4b:s3+s12], $0x10, s16, s12, $0xb8;
	[tilespmem:$0x1D400] =	vst v63  }
0x31: {  	_ =	swait.ge [sflag:s17], $0xD000  }
0x32: {  	[sflag:s17] =	ssyncset.done $0x0  }
0x33: {  	[sflag:s17] =	ssyncadd.s32 $0xFFFF3000  }
0x34: {  	[hbm4b:s6+s2] =	stream.linear.scatter [tilespmem:s14], [sflag:$0x3], $0xD000, $0x38;
	[tilespmem:$0x1D400] =	vst v63  }
0x35: {  	_ =	swait.ge [sflag:s11], $0xD000  }
0x36: {  	[sflag:s11] =	ssyncset.done $0x0  }
0x37: {  	[sflag:s11] =	ssyncadd.s32 $0xFFFF3000  }
0x38: {  	[tilespmem:s14], [sflag:$0x2] =	stream.indirect.gather [hbm4b:s3+s12], $0x10, s18, s12, $0xb8;
	[tilespmem:$0x1D400] =	vst v63  }
0x39: {  	_ =	swait.ge [sflag:s15], $0xD000  }
0x3a: {  	[sflag:s15] =	ssyncset.done $0x0  }
0x3b: {  	[sflag:s15] =	ssyncadd.s32 $0xFFFF3000  }
0x3c: {  	[hbm4b:s7+s2] =	stream.linear.scatter [tilespmem:s13], [sflag:$0x3], $0xD000, $0x38;
	[tilespmem:$0x1D400] =	vst v63  }
0x3d: {  	_ =	swait.ge [sflag:s11], $0xD000  }
0x3e: {  	[sflag:s11] =	ssyncset.done $0x0  }
0x3f: {  	[sflag:s11] =	ssyncadd.s32 $0xFFFF3000  }
0x40: {  	s19 =	sadd.s32 $0x1, s19;
	_ =	swait.ge [sflag:s17], $0xD000  }
0x41: {  	p0 =	sne.s32 s19, s9;
	[sflag:s17] =	ssyncset.done $0x0  }
.Ltmp1:
0x42: {  	[sflag:s17] =	ssyncadd.s32 $0xFFFF3000;
	(pc) =	sbr.rel @p0 .LBB2_1-.Ltmp1, $4  }
0x43: {  	[hbm4b:s8+s2] =	stream.linear.scatter [tilespmem:s14], [sflag:$0x3], $0xD000, $0x38;
	[tilespmem:$0x1D400] =	vst v63  }
0x44: {  	_ =	swait.ge [sflag:s11], $0xD000  }
0x45: {  	[sflag:s11] =	ssyncset.done $0x0  }
0x46: {  	[sflag:s11] =	ssyncadd.s32 $0xFFFF3000  }
0x47: {  	_ =	sfence.sel $0x180000  }
0x48: {  	[bflag:$0x0] =	sbarrier.arrive $0xFFFF  }
0x49: {  	p0 =	sne.s32 s0, $0x0;
	_ =	strace $0x90000047  }
0x4a: {  	s0 =	sadd.s32 @!p0 $0x100000, s1;
	[bflag:$0x2] =	sbarrier.arrive $0xFFFF  }
0x4b: {  	[sflag:s0] =	ssyncadd.tile.s32 @!p0 $0x1;
	_ =	shalt  }
.Lfunc_end2:
_tile_overlayer_lowered:
.L_overlay_start_2:
0x4c: {  	(tag) =	ssettag $0x2  }
0x4d: {  	s0 =	rddreg [dreg:$0x0];
	s2 =	stileid.u32  }
0x4e: {  	s1 =	rddreg [dreg:$0x1];
	p0 =	sne.s32 s2, $0x0  }
0x4f: {  	s3 =	rddreg [dreg:$0x2];
	[bflag:$0x3] =	sbarrier.arrive $0xFFFF;
	s2 =	simm.s32 @!p0 $0x1C03  }
0x50: {  	[timem:s3], [sflag:s2] =	dma.local @!p0 [hbm:s0], s1  }
0x51: {  	s0 =	simm.s32 @!p0 $0x3  }
0x52: {  	_ =	swait.ge @!p0 [sflag:s0], s1  }
0x53: {  	s1 =	ssub.s32 @!p0 $0x0, s1;
	[sflag:s0] =	ssyncset.done @!p0 $0x0  }
0x54: {  	[sflag:s0] =	ssyncadd.s32 @!p0 s1  }
0x55: {  	[bflag:$0x3] =	sbarrier.arrive $0xFFFF  }
0x56: {  	_ =	shalt  }

</sc_bundles>
